<compile_context>
chip_gen: v7x
topology: tpu7x:2x2x1
jax: 0.10.2.dev20260603
libtpu: 0.0.44.dev20260713+nightly
codegen_flags: <defaults>
</compile_context>

<pallas_src>
import functools

import jax
import jax.numpy as jnp
from jax import lax
from jax.experimental import pallas as pl
from jax.experimental.pallas import tpu as pltpu
from jax.experimental.pallas import tpu_sc as plsc

B = 32
T = 576
DIM = 256
K = 1024
N = B * T
BN = 512
NB = N // BN

_SC_INFO = plsc.get_sparse_core_info()
NC, NS = _SC_INFO.num_cores, _SC_INFO.num_subcores
NW = NC * NS
B_PER_W = N // NW
CH = 96
NCH = B_PER_W // CH


def _dist_body(x_ref, e_ref, dist_ref, ind_ref):
    x = x_ref[...]
    e = e_ref[...]
    prod = lax.dot_general(x, e, (((1,), (1,)), ((), ())),
                           preferred_element_type=jnp.float32)
    zsq = jnp.sum(x * x, axis=1, keepdims=True)
    esq = jnp.sum(e * e, axis=1)[None, :]
    dist = -((zsq - 2.0 * prod) + esq)
    dist_ref[...] = dist
    m = jnp.max(dist, axis=1, keepdims=True)
    lane = lax.broadcasted_iota(jnp.int32, (BN, K), 1)
    ind = jnp.min(jnp.where(dist == m, lane, K), axis=1)
    ind_ref[0, 0, :] = ind


_SC_MESH = plsc.VectorSubcoreMesh(core_axis_name="c", subcore_axis_name="s")


@functools.partial(
    pl.kernel,
    mesh=_SC_MESH,
    out_type=jax.ShapeDtypeStruct((N, DIM), jnp.float32),
    scratch_types=[
        pltpu.VMEM((B_PER_W,), jnp.int32),
        pltpu.VMEM((CH, DIM), jnp.float32),
        pltpu.SemaphoreType.DMA,
    ],
)
def _sc_gather(idx_hbm, table_hbm, out_hbm, idx_v, rows_v, sem):
    wid = lax.axis_index("s") * NC + lax.axis_index("c")
    base = wid * B_PER_W
    pltpu.sync_copy(idx_hbm.at[pl.ds(base, B_PER_W)], idx_v)

    def body(j, carry):
        off = j * CH
        pltpu.async_copy(table_hbm.at[idx_v.at[pl.ds(off, CH)]],
                         rows_v, sem).wait()
        pltpu.sync_copy(rows_v, out_hbm.at[pl.ds(base + off, CH)])
        return carry

    lax.fori_loop(0, NCH, body, 0)


@jax.jit
def kernel(x, embed):
    flat = x.reshape(N, DIM)
    dist, ind3 = pl.pallas_call(
        _dist_body,
        grid=(NB,),
        in_specs=[
            pl.BlockSpec((BN, DIM), lambda i: (i, 0)),
            pl.BlockSpec((K, DIM), lambda i: (0, 0)),
        ],
        out_specs=[
            pl.BlockSpec((BN, K), lambda i: (i, 0)),
            pl.BlockSpec((1, 1, BN), lambda i: (i, 0, 0)),
        ],
        out_shape=[
            jax.ShapeDtypeStruct((N, K), jnp.float32),
            jax.ShapeDtypeStruct((NB, 1, BN), jnp.int32),
        ],
    )(flat, embed)
    ind_flat = ind3.reshape(N)
    quant = _sc_gather(ind_flat, embed)
    embed_ind = ind3.reshape(B, T)
    quantize = quant.reshape(B, T, DIM)
    return quantize, embed_ind, dist

# --- scband reference (transcript-rebuilt; emitter-appended) ---
"""Pipeline reference for scband-vector-quantize-44719199486120 (READ-ONLY COPY).

The authoritative reference and input builder live on the scoring server;
editing this copy changes nothing except your own understanding.
"""

import jax, jax.numpy as jnp
import numpy as np

B = 32
T = 576
DIM = 256
CODEBOOK_SIZE = 1024

def setup_inputs(seed: int = 0) -> dict:
    key = jax.random.key(seed)
    k1, k2 = jax.random.split(key)
    x = jax.random.normal(k1, (B, T, DIM), dtype=jnp.float32)
    # learned codebook (EuclideanCodebook.embed buffer), init ~ randn per torch module
    embed = jax.random.normal(k2, (CODEBOOK_SIZE, DIM), dtype=jnp.float32)
    return {"x": x, "embed": embed}

def reference(x, embed):
    # Faithful eval-mode forward of VectorQuantize with EuclideanCodebook
    shape = x.shape
    flatten = x.reshape(-1, shape[-1])  # (B*T, D)
    emb_t = embed.T  # (D, K)
    # dist = -(||z||^2 - 2 z e^T + ||e||^2)
    dist = -(jnp.sum(flatten ** 2, axis=1, keepdims=True)
             - 2.0 * (flatten @ emb_t)
             + jnp.sum(emb_t ** 2, axis=0, keepdims=True))  # (B*T, K)
    embed_ind_flat = jnp.argmax(dist, axis=-1)  # (B*T,)
    embed_ind = embed_ind_flat.reshape(shape[:-1])  # (B, T)
    quantize = jnp.take(embed, embed_ind, axis=0)  # embedding gather -> (B, T, D)
    return quantize, embed_ind, dist

if __name__ == "__main__":
    import jax
    _d = setup_inputs()
    print(jax.jit(kernel)(*tuple(_d.values())))

</pallas_src>

<mosaic_0001>
#map = affine_map<(d0, d1) -> (0)>
#map1 = affine_map<(d0, d1) -> (0, 0)>
module attributes {stable_mosaic.version = 14 : i64} {
  func.func @_sc_gather(%arg0: i32, %arg1: i32, %arg2: memref<18432xi32, #tpu.memory_space<hbm>>, %arg3: memref<1024x256xf32, #tpu.memory_space<hbm>>, %arg4: memref<18432x256xf32, #tpu.memory_space<hbm>>, %arg5: memref<576xi32, #tpu.memory_space<vmem>>, %arg6: memref<96x256xf32, #tpu.memory_space<vmem>>, %arg7: memref<!tpu.dma_semaphore, #tpu.memory_space<semaphore_mem>>) attributes {dimension_semantics = [#tpu.dimension_semantics<core_parallel>, #tpu.dimension_semantics<subcore_parallel>], iteration_bounds = array<i64: 2, 16>, scalar_prefetch = 0 : i64, scratch_operands = 3 : i64, tpu.core_type = #tpu.core_type<sc_vector_subcore>, window_params = [{transform_indices = #map}, {transform_indices = #map1}, {transform_indices = #map1}]} {
    %mul3A = arith.constant 2 : i32
    %mul3A_0 = arith.muli %arg1, %mul3A : i32
    %add3A = arith.addi %mul3A_0, %arg0 : i32
    %mul3A_1 = arith.constant 576 : i32
    %mul3A_2 = arith.muli %add3A, %mul3A_1 : i32
    "tpu.region"() ({
      %run_scoped3A = tpu.sem_alloc : memref<!tpu.dma_semaphore, #tpu.memory_space<semaphore_mem>>
      %dma_start3A = tpu.memref_slice %arg2[%mul3A_2] : memref<18432xi32, #tpu.memory_space<hbm>> -> memref<576xi32, #tpu.memory_space<hbm>>
      %dma_start3A_8 = tpu.memref_slice %arg2[%mul3A_2] : memref<18432xi32, #tpu.memory_space<hbm>> -> memref<576xi32, #tpu.memory_space<hbm>>
      tpu.enqueue_dma source(%dma_start3A_8 : memref<576xi32, #tpu.memory_space<hbm>>) target(%arg5 : memref<576xi32, #tpu.memory_space<vmem>>) target_semaphore(%run_scoped3A : memref<!tpu.dma_semaphore, #tpu.memory_space<semaphore_mem>>)
      %dma_wait3A = tpu.memref_slice %arg2[%mul3A_2] : memref<18432xi32, #tpu.memory_space<hbm>> -> memref<576xi32, #tpu.memory_space<hbm>>
      %dma_wait3A_9 = tpu.memref_slice %arg2[%mul3A_2] : memref<18432xi32, #tpu.memory_space<hbm>> -> memref<576xi32, #tpu.memory_space<hbm>>
      tpu.wait_dma2 semaphore(%run_scoped3A : memref<!tpu.dma_semaphore, #tpu.memory_space<semaphore_mem>>) src(%dma_wait3A_9 : memref<576xi32, #tpu.memory_space<hbm>>) dst(%arg5 : memref<576xi32, #tpu.memory_space<vmem>>)
      tpu.yield
    }) : () -> ()
    %scan3A = arith.constant 0 : i32
    %scan3A_3 = arith.constant 0 : i32
    %scan3A_4 = arith.constant 6 : i32
    %scan3A_5 = arith.addi %scan3A_3, %scan3A_4 : i32
    %scan3A_6 = arith.constant 1 : i32
    scf.for %scan3A_8 = %scan3A_3 to %scan3A_5 step %scan3A_6  : i32 {
      %mul3A_9 = arith.constant 96 : i32
      %mul3A_10 = arith.muli %scan3A_8, %mul3A_9 : i32
      %dma_start3A = tpu.memref_slice %arg5[%mul3A_10] : memref<576xi32, #tpu.memory_space<vmem>> -> memref<96xi32, #tpu.memory_space<vmem>>
      %dma_start3A_11 = arith.constant 0 : i32
      %dma_start3A_12 = arith.constant 0 : i32
      %dma_start3A_13 = tpu.memref_slice %arg3[%dma_start3A_11, %dma_start3A_12] : memref<1024x256xf32, #tpu.memory_space<hbm>> -> memref<1024x256xf32, #tpu.memory_space<hbm>>
      tpu.enqueue_indirect_dma source(%dma_start3A_13 : memref<1024x256xf32, #tpu.memory_space<hbm>>) target(%arg6 : memref<96x256xf32, #tpu.memory_space<vmem>>) offsets(%dma_start3A : memref<96xi32, #tpu.memory_space<vmem>>) semaphore(%arg7 : memref<!tpu.dma_semaphore, #tpu.memory_space<semaphore_mem>>)
      %dma_wait3A = tpu.memref_slice %arg5[%mul3A_10] : memref<576xi32, #tpu.memory_space<vmem>> -> memref<96xi32, #tpu.memory_space<vmem>>
      %dma_wait3A_14 = arith.constant 0 : i32
      %dma_wait3A_15 = arith.constant 0 : i32
      %dma_wait3A_16 = tpu.memref_slice %arg3[%dma_wait3A_14, %dma_wait3A_15] : memref<1024x256xf32, #tpu.memory_space<hbm>> -> memref<1024x256xf32, #tpu.memory_space<hbm>>
      tpu.wait_indirect_dma semaphore(%arg7 : memref<!tpu.dma_semaphore, #tpu.memory_space<semaphore_mem>>) src(%dma_wait3A_16 : memref<1024x256xf32, #tpu.memory_space<hbm>>) dst(%arg6 : memref<96x256xf32, #tpu.memory_space<vmem>>)
      %add3A_17 = arith.addi %mul3A_2, %mul3A_10 : i32
      "tpu.region"() ({
        %run_scoped3A = tpu.sem_alloc : memref<!tpu.dma_semaphore, #tpu.memory_space<semaphore_mem>>
        %dma_start3A_18 = arith.constant 0 : i32
        %dma_start3A_19 = tpu.memref_slice %arg4[%add3A_17, %dma_start3A_18] : memref<18432x256xf32, #tpu.memory_space<hbm>> -> memref<96x256xf32, #tpu.memory_space<hbm>>
        %dma_start3A_20 = arith.constant 0 : i32
        %dma_start3A_21 = tpu.memref_slice %arg4[%add3A_17, %dma_start3A_20] : memref<18432x256xf32, #tpu.memory_space<hbm>> -> memref<96x256xf32, #tpu.memory_space<hbm>>
        tpu.enqueue_dma source(%arg6 : memref<96x256xf32, #tpu.memory_space<vmem>>) target(%dma_start3A_21 : memref<96x256xf32, #tpu.memory_space<hbm>>) target_semaphore(%run_scoped3A : memref<!tpu.dma_semaphore, #tpu.memory_space<semaphore_mem>>)
        %dma_wait3A_22 = arith.constant 0 : i32
        %dma_wait3A_23 = tpu.memref_slice %arg4[%add3A_17, %dma_wait3A_22] : memref<18432x256xf32, #tpu.memory_space<hbm>> -> memref<96x256xf32, #tpu.memory_space<hbm>>
        %dma_wait3A_24 = arith.constant 0 : i32
        %dma_wait3A_25 = tpu.memref_slice %arg4[%add3A_17, %dma_wait3A_24] : memref<18432x256xf32, #tpu.memory_space<hbm>> -> memref<96x256xf32, #tpu.memory_space<hbm>>
        tpu.wait_dma2 semaphore(%run_scoped3A : memref<!tpu.dma_semaphore, #tpu.memory_space<semaphore_mem>>) src(%arg6 : memref<96x256xf32, #tpu.memory_space<vmem>>) dst(%dma_wait3A_25 : memref<96x256xf32, #tpu.memory_space<hbm>>)
        tpu.yield
      }) : () -> ()
    }
    %scan3A_7 = arith.constant 6 : i32
    return
  }
}

module attributes {stable_mosaic.version = 14 : i64} {
  func.func @_dist_body(%arg0: i32, %arg1: memref<512x256xf32, #tpu.memory_space<vmem>>, %arg2: memref<1024x256xf32, #tpu.memory_space<vmem>>, %arg3: memref<512x1024xf32, #tpu.memory_space<vmem>>, %arg4: memref<1x1x512xi32, #tpu.memory_space<vmem>>) attributes {dimension_semantics = [#tpu.dimension_semantics<arbitrary>], iteration_bounds = array<i64: 36>, scalar_prefetch = 0 : i64, scratch_operands = 0 : i64, tpu.core_type = #tpu.core_type<tc>, window_params = [{transform_indices = @transform_0, window_bounds = array<i64: 512, 256>}, {pipeline_mode = #tpu.pipeline_mode<synchronous>, transform_indices = @transform_1, window_bounds = array<i64: 1024, 256>}, {transform_indices = @transform_2, window_bounds = array<i64: 512, 1024>}, {transform_indices = @transform_3, window_bounds = array<i64: 1, 1, 512>}]} {
    %get3A = arith.constant 0 : index
    %get3A_0 = arith.constant 0 : index
    %get3A_1 = vector.load %arg1[%get3A, %get3A_0] : memref<512x256xf32, #tpu.memory_space<vmem>>, vector<512x256xf32>
    %get3A_2 = arith.constant 0 : index
    %get3A_3 = arith.constant 0 : index
    %get3A_4 = vector.load %arg2[%get3A_2, %get3A_3] : memref<1024x256xf32, #tpu.memory_space<vmem>>, vector<1024x256xf32>
    %dot_general3A = arith.constant dense<0.000000e+00> : vector<512x1024xf32>
    %dot_general3A_5 = tpu.matmul %get3A_1, %get3A_4, %dot_general3A {dimension_numbers = #tpu.dot_dimension_numbers<[1], [1], [0], [0], [0, 0, 1, 0], [], []>, transpose_lhs_hint = false} : vector<512x256xf32>, vector<1024x256xf32>, vector<512x1024xf32> -> vector<512x1024xf32>
    %mul3A = arith.mulf %get3A_1, %get3A_1 : vector<512x256xf32>
    %reduce_sum3A = arith.constant dense<0.000000e+00> : vector<512xf32>
    %reduce_sum3A_6 = vector.multi_reduction <add>, %mul3A, %reduce_sum3A [1] : vector<512x256xf32> to vector<512xf32>
    %broadcast_in_dim3A = vector.shape_cast %reduce_sum3A_6 : vector<512xf32> to vector<512x1xf32>
    %mul3A_7 = arith.mulf %get3A_4, %get3A_4 : vector<1024x256xf32>
    %reduce_sum3A_8 = arith.constant dense<0.000000e+00> : vector<1024xf32>
    %reduce_sum3A_9 = vector.multi_reduction <add>, %mul3A_7, %reduce_sum3A_8 [1] : vector<1024x256xf32> to vector<1024xf32>
    %broadcast_in_dim3A_10 = vector.shape_cast %reduce_sum3A_9 : vector<1024xf32> to vector<1x1024xf32>
    %mul3A_11 = arith.constant 2.000000e+00 : f32
    %mul3A_12 = vector.broadcast %mul3A_11 : f32 to vector<512x1024xf32>
    %mul3A_13 = arith.mulf %mul3A_12, %dot_general3A_5 : vector<512x1024xf32>
    %sub3A = vector.broadcast %broadcast_in_dim3A : vector<512x1xf32> to vector<512x1024xf32>
    %sub3A_14 = arith.subf %sub3A, %mul3A_13 : vector<512x1024xf32>
    %add3A = vector.broadcast %broadcast_in_dim3A_10 : vector<1x1024xf32> to vector<512x1024xf32>
    %add3A_15 = arith.addf %sub3A_14, %add3A : vector<512x1024xf32>
    %neg3A = arith.constant 0.000000e+00 : f32
    %neg3A_16 = vector.broadcast %neg3A : f32 to vector<512x1024xf32>
    %neg3A_17 = arith.subf %neg3A_16, %add3A_15 : vector<512x1024xf32>
    %swap3A = arith.constant 0 : index
    %swap3A_18 = arith.constant 0 : index
    %swap3A_19 = vector.load %arg3[%swap3A, %swap3A_18] : memref<512x1024xf32, #tpu.memory_space<vmem>>, vector<512x1024xf32>
    tpu.vector_store %arg3[%swap3A, %swap3A_18], %neg3A_17 {strides = array<i32>} : memref<512x1024xf32, #tpu.memory_space<vmem>>, vector<512x1024xf32>,
    %reduce_max3A = arith.constant dense<0xFF800000> : vector<512xf32>
    %reduce_max3A_20 = vector.multi_reduction <maximumf>, %neg3A_17, %reduce_max3A [1] : vector<512x1024xf32> to vector<512xf32>
    %broadcast_in_dim3A_21 = vector.shape_cast %reduce_max3A_20 : vector<512xf32> to vector<512x1xf32>
    %iota3A = tpu.iota {dimensions = array<i32: 1>} : vector<512x1024xi32>
    %eq3A = vector.broadcast %broadcast_in_dim3A_21 : vector<512x1xf32> to vector<512x1024xf32>
    %eq3A_22 = arith.cmpf oeq, %neg3A_17, %eq3A : vector<512x1024xf32>
    %jit3A = arith.constant 1024 : i32
    %broadcast_in_dim3A_23 = vector.broadcast %jit3A : i32 to vector<512x1024xi32>
    %select_n3A = arith.select %eq3A_22, %iota3A, %broadcast_in_dim3A_23 : vector<512x1024xi1>, vector<512x1024xi32>
    %reduce_min3A = arith.constant dense<2147483647> : vector<512xi32>
    %reduce_min3A_24 = vector.multi_reduction <minsi>, %select_n3A, %reduce_min3A [1] : vector<512x1024xi32> to vector<512xi32>
    %swap3A_25 = arith.constant 0 : index
    %swap3A_26 = arith.constant 0 : index
    %swap3A_27 = arith.constant 0 : index
    %swap3A_28 = vector.load %arg4[%swap3A_25, %swap3A_26, %swap3A_27] : memref<1x1x512xi32, #tpu.memory_space<vmem>>, vector<1x1x512xi32>
    %swap3A_29 = vector.shape_cast %swap3A_28 : vector<1x1x512xi32> to vector<512xi32>
    %swap3A_30 = vector.shape_cast %reduce_min3A_24 : vector<512xi32> to vector<1x1x512xi32>
    tpu.vector_store %arg4[%swap3A_25, %swap3A_26, %swap3A_27], %swap3A_30 {strides = array<i32>} : memref<1x1x512xi32, #tpu.memory_space<vmem>>, vector<1x1x512xi32>,
    return
  }
  func.func @transform_0(%arg0: i32) -> (i32, i32) {
    %c0_i32 = arith.constant 0 : i32
    %c0_i32_0 = arith.constant 0 : i32
    return %arg0, %c0_i32 : i32, i32
  }
  func.func @transform_1(%arg0: i32) -> (i32, i32) {
    %c0_i32 = arith.constant 0 : i32
    %c0_i32_0 = arith.constant 0 : i32
    %c0_i32_1 = arith.constant 0 : i32
    return %c0_i32, %c0_i32_0 : i32, i32
  }
  func.func @transform_2(%arg0: i32) -> (i32, i32) {
    %c0_i32 = arith.constant 0 : i32
    %c0_i32_0 = arith.constant 0 : i32
    return %arg0, %c0_i32 : i32, i32
  }
  func.func @transform_3(%arg0: i32) -> (i32, i32, i32) {
    %c0_i32 = arith.constant 0 : i32
    %c0_i32_0 = arith.constant 0 : i32
    %c0_i32_1 = arith.constant 0 : i32
    return %arg0, %c0_i32, %c0_i32_0 : i32, i32, i32
  }
}

</mosaic_0001>

<sc_bundles>
// kernel: kernel.4.cloned.1.call-start
scs
__scs_entry_jumppad:
0x0: {  	(pc) =	sbr.rel $0x88, $3  }
0x1: {  	(tag) =	ssettag $0x0;
	lr =	simm.s32 $0x1  }
0x2: {  	[smem:$0x3F9F] =	sst lr;
	_ =	strace $0xD0000000  }
0x3: {  	_ = 	snop  }
0x4: {  	_ = 	snop  }
0x5: {  	_ = 	snop  }
0x6: {  	_ = 	snop  }
0x7: {  	_ = 	snop  }
__scs_overlays_trampoline_lowered:
0x8: {  	[smem:$0x3FAE] =	sst s0  }
0x9: {  	[smem:$0x3FAF] =	sst s1  }
0xa: {  	[smem:$0x3FB0] =	sst s2  }
0xb: {  	[smem:$0x3FB1] =	sst s3  }
0xc: {  	[smem:$0x3FB2] =	sst s4  }
0xd: {  	[smem:$0x3FB3] =	sst s5  }
0xe: {  	[smem:$0x3FB4] =	sst s6  }
0xf: {  	[smem:$0x3FB5] =	sst s7  }
0x10: {  	[smem:$0x3FB6] =	sst s8  }
0x11: {  	[smem:$0x3FB7] =	sst s9;
	s0 =	simm.s32 @!p0 $0x0  }
0x12: {  	s1 =	sld [smem:$0x3F9D];
	s0 =	simm.s32 @p0 $0x1  }
0x13: {  	[smem:$0x3FB8] =	sst s0;
	s0 =	simm.s32 @!p1 $0x0  }
0x14: {  	s2 =	sld [smem:$0x3F9C];
	s0 =	simm.s32 @p1 $0x1  }
0x15: {  	[smem:$0x3FB9] =	sst s0;
	s0 =	simm.s32 @!p2 $0x0  }
0x16: {  	s3 =	sld [smem:$0x3FDB];
	s0 =	simm.s32 @p2 $0x1  }
0x17: {  	s4 =	simm.s32 $0x1BF5;
	[smem:$0x3FBB] =	sst s0  }
0x18: {  	s0 =	sld [smem:$0x3F9E];
	_ =	swait.ge [sflag:s4], $0x0  }
0x19: {  	s7 =	sld [smem:$0x3F9F]  }
0x1a: {  	s8 =	sadd.s32 $0xFFFFE003, lr  }
0x1b: {  	s9 =	sadd.s32 $0xFFFFFEF7, lr;
	s5 =	simm.s32 $0xFFFFFFFF;
	p2 =	slt.u32 s8, $0xFFFFF086  }
0x1c: {  	p1 =	slt.u32 s9, $0xF7A;
	s5 =	simm.s32 @!p2 $0x0  }
0x1d: {  	s5 =	simm.s32 @p1 $0x1;
	p0 =	seq.s32 s7, s2  }
0x1e: {  	s7 =	smul.u32 @!p0 $0xF7A, s2;
	p2 =	seq.s32 @!p0 s5, $0x0  }
0x1f: {  	s9 =	smul.u32 $0xF7A, s1;
	s8 =	simm.s32 @!p0 $0x1BF5;
	p2 =	por !p2, p0  }
0x20: {  	[sflag:s8] =	ssyncset.s32 @!p0 $0xFFFFF086;
	s6 =	sadd.s32 @!p0 s3, s7;
	s7 =	simm.s32 @!p0 $0x108  }
0x21: {  	s3 =	sadd.s32 s3, s9;
	s6 =	sadd.s32 @!p0 $0x88, s6;
	s7 =	simm.s32 @p2 $0x1082  }
0x22: {  	[simem:s7], [sflag:s8] =	dma.local @!p0 [hbm:s6], $0xF7A  }
0x23: {  	s9 =	sor.u32 $0xD0000000, s2;
	s6 =	simm.s32 $0x108;
	_ =	swait.ge @!p0 [sflag:s8], $0x0  }
0x24: {  	s3 =	sadd.s32 $0x88, s3;
	s6 =	simm.s32 @!p1 $0x1082;
	[sflag:s4] =	ssyncset.s32 $0xFFFFF086  }
0x25: {  	[simem:s6], [sflag:s4] =	dma.local [hbm:s3], $0xF7A  }
0x26: {  	[smem:$0x3F9F] =	sst s1;
	(tag) =	ssettag s2;
	_ =	strace s9  }
0x27: {  	s1 =	sld [smem:$0x3FAF]  }
0x28: {  	s2 =	sld [smem:$0x3FB0]  }
0x29: {  	s4 =	sld [smem:$0x3FB2]  }
0x2a: {  	p0 =	seq.s32 s5, $0x0;
	s5 =	sld [smem:$0x3FB3]  }
0x2b: {  	s6 =	sld [smem:$0x3FB4]  }
0x2c: {  	s7 =	sld [smem:$0x3FB5]  }
0x2d: {  	s3 =	simm.s32 $0x108;
	s8 =	sld [smem:$0x3FB6]  }
0x2e: {  	s3 =	simm.s32 @!p0 $0x1082;
	s9 =	sld [smem:$0x3FB7]  }
0x2f: {  	lr =	sadd.s32 s0, s3;
	s0 =	sld [smem:$0x3FAE]  }
0x30: {  	s3 =	sld [smem:$0x3FB1]  }
0x31: {  	[smem:$0x3FBA] =	sst s10  }
0x32: {  	s10 =	sld [smem:$0x3FB8];
	_ =	sdelay $0x3  }
0x33: {  	p0 =	seq.s32 s10, $0x1;
	s10 =	sld [smem:$0x3FBA];
	_ =	sdelay $0x3  }
0x34: {  	[smem:$0x3FBA] =	sst s10  }
0x35: {  	s10 =	sld [smem:$0x3FB9];
	_ =	sdelay $0x3  }
0x36: {  	p1 =	seq.s32 s10, $0x1;
	s10 =	sld [smem:$0x3FBA];
	_ =	sdelay $0x3  }
0x37: {  	[smem:$0x3FBA] =	sst s10  }
0x38: {  	s10 =	sld [smem:$0x3FBB]  }
0x39: {  	_ = 	snop;
	(pc) =	sbr.ind lr, $3  }
0x3a: {  	_ = 	snop  }
0x3b: {  	_ = 	snop  }
0x3c: {  	p2 =	seq.s32 s10, $0x1;
	s10 =	sld [smem:$0x3FBA]  }
0x3d: {  	_ =	shalt  }
0x3e: {  	_ =	shalt  }
0x3f: {  	_ =	shalt  }
0x40: {  	_ =	shalt  }
0x41: {  	_ =	shalt  }
0x42: {  	_ =	shalt  }
0x43: {  	_ =	shalt  }
0x44: {  	_ =	shalt  }
0x45: {  	_ =	shalt  }
0x46: {  	_ =	shalt  }
0x47: {  	_ =	shalt  }
0x48: {  	_ =	shalt  }
0x49: {  	_ =	shalt  }
0x4a: {  	_ =	shalt  }
0x4b: {  	_ =	shalt  }
0x4c: {  	_ =	shalt  }
0x4d: {  	_ =	shalt  }
0x4e: {  	_ =	shalt  }
0x4f: {  	_ =	shalt  }
0x50: {  	_ =	shalt  }
0x51: {  	_ =	shalt  }
0x52: {  	_ =	shalt  }
0x53: {  	_ =	shalt  }
0x54: {  	_ =	shalt  }
0x55: {  	_ =	shalt  }
0x56: {  	_ =	shalt  }
0x57: {  	_ =	shalt  }
0x58: {  	_ =	shalt  }
0x59: {  	_ =	shalt  }
0x5a: {  	_ =	shalt  }
0x5b: {  	_ =	shalt  }
0x5c: {  	_ =	shalt  }
0x5d: {  	_ =	shalt  }
0x5e: {  	_ =	shalt  }
0x5f: {  	_ =	shalt  }
0x60: {  	_ =	shalt  }
0x61: {  	_ =	shalt  }
0x62: {  	_ =	shalt  }
0x63: {  	_ =	shalt  }
0x64: {  	_ =	shalt  }
0x65: {  	_ =	shalt  }
0x66: {  	_ =	shalt  }
0x67: {  	_ =	shalt  }
0x68: {  	_ =	shalt  }
0x69: {  	_ =	shalt  }
0x6a: {  	_ =	shalt  }
0x6b: {  	_ =	shalt  }
0x6c: {  	_ =	shalt  }
0x6d: {  	_ =	shalt  }
0x6e: {  	_ =	shalt  }
0x6f: {  	_ =	shalt  }
0x70: {  	_ =	shalt  }
0x71: {  	_ =	shalt  }
0x72: {  	_ =	shalt  }
0x73: {  	_ =	shalt  }
0x74: {  	_ =	shalt  }
0x75: {  	_ =	shalt  }
0x76: {  	_ =	shalt  }
0x77: {  	_ =	shalt  }
0x78: {  	_ =	shalt  }
0x79: {  	_ =	shalt  }
0x7a: {  	_ =	shalt  }
0x7b: {  	_ =	shalt  }
0x7c: {  	_ =	shalt  }
0x7d: {  	_ =	shalt  }
0x7e: {  	_ =	shalt  }
0x7f: {  	_ =	shalt  }
0x80: {  	_ =	shalt  }
0x81: {  	_ =	shalt  }
0x82: {  	_ =	shalt  }
0x83: {  	_ =	shalt  }
0x84: {  	_ =	shalt  }
0x85: {  	_ =	shalt  }
0x86: {  	_ =	shalt  }
0x87: {  	_ =	shalt  }
.Lfunc_end0:
.L_simem_size_0:
called_computation_lowered:
.L_overlay_start_0:
0x88: {  	s2 =	sld [smem:$0x3FD9]  }
0x89: {  	s3 =	sld [smem:$0x3FFE];
	_ =	sdelay $0x1  }
0x8a: {  	s1 =	srdreg.scid  }
0x8b: {  	s0 =	sand.u32 $0x1, s1  }
0x8c: {  	s14 =	sshll.u32 s0, $0xA;
	s2 =	sadd.s32 s3, s2  }
0x8d: {  	s2 =	sadd.s32 s2, s14  }
0x8e: {  	[smem:$0x3FC6] =	sst s2  }
0x8f: {  	_ = 	snop  }
0x90: {  	s2 =	sld [smem:$0x3FD0];
	_ =	sdelay $0x2  }
0x91: {  	s4 =	simm.s32 $0xA;
	s5 =	simm.s32 $0x10;
	s15 =	sld [smem:$0x3FC8]  }
0x92: {  	[smem:s5], [sflag:s4] =	dma.local [hbm:s2], $0x1  }
0x93: {  	_ =	swait.eq [sflag:s4], $0x1  }
0x94: {  	[sflag:s4] =	ssyncset.done $0x0  }
0x95: {  	[sflag:s4] =	ssyncadd.s32 $0xFFFFFFFF  }
0x96: {  	s16 =	sld [smem:$0x10];
	(tm) =	ssettm $0x1  }
0x97: {  	s17 =	sld [smem:$0x3FFB];
	_ =	sdelay $0x3  }
0x98: {  	_ =	strace s17  }
0x99: {  	s4 =	sld [smem:$0x3FFC];
	_ =	sdelay $0x3  }
0x9a: {  	_ =	strace s4  }
0x9b: {  	s4 =	sld [smem:$0x3FFD];
	_ =	sdelay $0x3  }
0x9c: {  	_ =	strace s4  }
0x9d: {  	_ =	strace $0x8FFFFFFF  }
0x9e: {  	s18 =	sld [smem:$0x3FDB];
	_ =	sdelay $0x1  }
0x9f: {  	s19 =	simm.s32 $_scs_section_size  }
0xa0: {  	s6 =	simm.s32 $_size__tile_overlayer_lowered;
	s7 =	simm.s32 $_tile_overlayer_lowered  }
0xa1: {  	s22 =	simm.s32 $0x1BFF;
	s21 =	sshll.u32 s7, $0x1;
	s4 =	sadd.s32 s19, s18  }
0xa2: {  	s8 =	simm.s32 $0x0;
	s20 =	sshll.u32 s6, $0x1;
	s6 =	sadd.s32 s21, s4  }
0xa3: {  	[timem:s8], [sflag:s22] =	dma.local [hbm:s6], s20  }
0xa4: {  	_ =	swait.ge [sflag:s22], s20  }
0xa5: {  	s5 =	ssub.s32 $0x0, s20;
	[sflag:s22] =	ssyncset.done $0x0  }
0xa6: {  	[sflag:s22] =	ssyncadd.s32 s5;
	_ =	sdelay $0x1  }
0xa7: {  	s23 =	simm.s32 $0x1B8B  }
0xa8: {  	_ =	swait.ge [sflag:s23], $0x1  }
0xa9: {  	[sflag:s23] =	ssyncset.done $0x0  }
0xaa: {  	s25 =	simm.s32 $0x1B8E;
	s24 =	sld [smem:$0x3FFE];
	[sflag:s23] =	ssyncadd.s32 $0xFFFFFFFF  }
0xab: {  	s26 =	simm.s32 $execute0_lowered;
	[smem:$0x3FD2] =	sst s25  }
0xac: {  	s6 =	sshll.u32 s26, $0x1;
	_ =	strace $0x80000046;
	[dreg:$0x1] =	wrdreg $0xFFFFFFFF  }
0xad: {  	s28 =	simm.s32 $_size_execute0_lowered;
	s4 =	sadd.s32 s4, s6;
	[dreg:$0x0] =	wrdreg $0x0  }
0xae: {  	s6 =	sshll.u32 s28, $0x1;
	[dreg:$0x2] =	wrdreg s4  }
0xaf: {  	[dreg:$0x3] =	wrdreg s6  }
0xb0: {  	[dreg:$0x4] =	wrdreg $0xC0  }
0xb1: {  	_ =	task [dreg:s8], $0x5FFFF  }
0xb2: {  	[dreg:$0x1] =	wrdreg $0xFFFFFFFF  }
0xb3: {  	[dreg:$0x0] =	wrdreg $0x60  }
0xb4: {  	[dreg:$0x2] =	wrdreg s24  }
0xb5: {  	[dreg:$0x3] =	wrdreg s15  }
0xb6: {  	[dreg:$0x4] =	wrdreg s16  }
0xb7: {  	[dreg:$0x5] =	wrdreg $0x9  }
0xb8: {  	_ =	task.clear_ibuf [dreg:s8], $0x6FFFF;
	_ =	strace $0x90000046  }
0xb9: {  	s29 =	simm.s32 $0x9;
	_ =	strace $0x80000048  }
0xba: {  	_ =	swait.ge [sflag:s29], $0x1  }
0xbb: {  	[sflag:s29] =	ssyncadd.s32 $0xFFFFFFFF  }
0xbc: {  	_ =	strace $0x90000048  }
0xbd: {  	_ =	sfence  }
0xbe: {  	s30 =	sld [smem:$0x0];
	_ =	sdelay $0x2  }
0xbf: {  	s31 =	sshll.u32 s1, $0xD;
	s1 =	sshrl.u32 s1, $0x2  }
0xc0: {  	s3 =	sand.u32 $0x4000, s31;
	s1 =	sadd.s32 s1, s30  }
0xc1: {  	s0 =	sor.u32 s3, s0;
	s1 =	sshll.u32 s1, $0x11  }
0xc2: {  	s0 =	sor.u32 s1, s0  }
0xc3: {  	s0 =	sadd.s32 $0x8F2B, s0  }
0xc4: {  	[sflag:s0] =	ssyncadd.remote.s32 $0x1  }
0xc5: {  	_ =	sfence.sel $0xFFFF  }
0xc6: {  	[dreg:$0x0] =	wrdreg $0xFFFFFFFF;
	(pc) =	sbr.abs _section_cstart, $3  }
0xc7: {  	[dreg:$0x1] =	wrdreg $0xFFFFFFFF  }
0xc8: {  	_ =	task.clear_ibuf [dreg:s8], $0x2FFFF;
	_ =	strace $0x9FFFFFFF  }
0xc9: {  	(tm) =	ssettm $0x7FFFFFFF  }
tec
execute0_lowered:
.L_overlay_start_1:
0x0: {  	(tag) =	ssettag $0x1  }
0x1: {  	s4 =	rddreg [dreg:$0x0]  }
0x2: {  	s2 =	rddreg [dreg:$0x1];
	s1 =	srdreg.scid  }
0x3: {  	s0 =	stileid.u32;
	s5 =	rddreg [dreg:$0x2];
	s3 =	simm.s32 $0x0  }
0x4: {  	s11 =	simm.s32 $0x1A80;
	s12 =	simm.s32 $0x2280;
	s13 =	simm.s32 $0x2A80  }
0x5: {  	s14 =	simm.s32 $0x3280;
	s15 =	simm.s32 $0x3A80;
	s16 =	simm.s32 $0x4280  }
0x6: {  	s17 =	simm.s32 $0x4A80;
	s18 =	simm.s32 $0x5280;
	s19 =	simm.s32 $0x5A80  }
0x7: {  	s20 =	simm.s32 $0x1;
	s21 =	simm.s32 $0x0;
	s6 =	sand.u32 $0x1, s1  }
0x8: {  	s7 =	sshll.u32 s0, $0x1;
	[smem:$0x7FF] =	sst s3;
	s9 =	smul.u32 $0x9000, s0  }
0x9: {  	s7 =	sor.u32 s6, s7;
	s8 =	ssub.s32 $0x2, s6;
	s6 =	smul.u32 $0x4800, s6  }
0xa: {  	s1 =	rddreg [dreg:$0x3];
	_ =	strace $0x80000047;
	s7 =	smul.u32 $0x240, s7  }
0xb: {  	s10 =	sshrl.u32 s8, $0x1;
	s31 =	sadd.s32 s9, s5;
	s9 =	simm.s32 $0xA80  }
0xc: {  	v2 =	vlaneseq.u32;
	s30 =	ssub.s32 s8, s10;
	s6 =	sadd.s32 s6, s31;
	s7 =	sshrl.u32 s7, $0x3  }
0xd: {  	vm0 =	vmmov $0xffff;
	v1 =	vshrl.u32 v2, $0x3;
	s8 =	simm.s32 $0x280;
	s10 =	simm.s32 $0x1280;
	s4 =	sadd.s32 s7, s4  }
0xe: {  	v0 =	vand.u32 $0x7, v2;
	v2 =	vor.u32 $0x8, v2;
	v1 =	vmul.u32 $0x8, v1;
	s5 =	smax.u32 s30, $0x1;
	s7 =	simm.s32 $0x2;
	s4 =	sadd.s32 $0xA00, s4  }
.LBB2_1:
0xf: {  	[tilespmem:s3], [sflag:$0x2] =	stream.linear.gather [hbm4b:s4+s3], $0x240, $0x38;
	[tilespmem:$0x6280] =	vst v63  }
0x10: {  	_ =	swait.ge [sflag:s7], $0x240  }
0x11: {  	[sflag:s7] =	ssyncset.done $0x0  }
0x12: {  	s22 =	simm.s32 $0x30;
	s23 =	simm.s32 $0x0;
	[sflag:s7] =	ssyncadd.s32 $0xFFFFFDC0  }
.LBB2_2:
0x13: {  	v3 =	vld [tilespmem:s22+$0xFFFFFFD0];
	_ =	sdelay $0x4  }
0x14: {  	v4 =	vshll.u32 v3, $0x1  }
0x15: {  	v3 =	vand.u32 $0x7, v3;
	v4 =	vand.u32 $0xFFFFFFF0, v4  }
0x16: {  	v3 =	vor.u32 v3, v4  }
0x17: {  	v4 =	vperm.xlane v3, v0;
	_ =	sdelay $0x1  }
0x18: {  	v3 =	vperm.xlane v3, v2;
	v4 =	vadd.s32 v1, v4;
	_ =	sdelay $0x1  }
0x19: {  	v3 =	vadd.s32 v1, v3;
	_ =	sdelay $0x2  }
0x1a: {  	[tilespmem:s8], [sflag:$0x1] =	stream.indirect_vreg.gather [hbm4b:s2+s3], $0x80, v4, vm0, $0xb8;
	[tilespmem:$0x6280] =	vst v63  }
0x1b: {  	_ = 	snop  }
0x1c: {  	[tilespmem:s9], [sflag:$0x1] =	stream.indirect_vreg.gather [hbm4b:s2+s3], $0x80, v3, vm0, $0xb8;
	[tilespmem:$0x6280] =	vst v63  }
0x1d: {  	v3 =	vld [tilespmem:s22+$0xFFFFFFE0];
	_ =	sdelay $0x4  }
0x1e: {  	v59 =	vshll.u32 v3, $0x1  }
0x1f: {  	v3 =	vand.u32 $0x7, v3;
	v4 =	vand.u32 $0xFFFFFFF0, v59  }
0x20: {  	v3 =	vor.u32 v3, v4  }
0x21: {  	v4 =	vperm.xlane v3, v0;
	_ =	sdelay $0x1  }
0x22: {  	v3 =	vperm.xlane v3, v2;
	v4 =	vadd.s32 v1, v4;
	_ =	sdelay $0x1  }
0x23: {  	v3 =	vadd.s32 v1, v3;
	_ =	sdelay $0x2  }
0x24: {  	[tilespmem:s10], [sflag:$0x1] =	stream.indirect_vreg.gather [hbm4b:s2+s3], $0x80, v4, vm0, $0xb8;
	[tilespmem:$0x6280] =	vst v63  }
0x25: {  	_ = 	snop  }
0x26: {  	[tilespmem:s11], [sflag:$0x1] =	stream.indirect_vreg.gather [hbm4b:s2+s3], $0x80, v3, vm0, $0xb8;
	[tilespmem:$0x6280] =	vst v63  }
0x27: {  	v3 =	vld [tilespmem:s22+$0xFFFFFFF0];
	_ =	sdelay $0x4  }
0x28: {  	v60 =	vshll.u32 v3, $0x1  }
0x29: {  	v3 =	vand.u32 $0x7, v3;
	v4 =	vand.u32 $0xFFFFFFF0, v60  }
0x2a: {  	v3 =	vor.u32 v3, v4  }
0x2b: {  	v4 =	vperm.xlane v3, v0;
	_ =	sdelay $0x1  }
0x2c: {  	v3 =	vperm.xlane v3, v2;
	v4 =	vadd.s32 v1, v4;
	_ =	sdelay $0x1  }
0x2d: {  	v3 =	vadd.s32 v1, v3;
	_ =	sdelay $0x2  }
0x2e: {  	[tilespmem:s12], [sflag:$0x1] =	stream.indirect_vreg.gather [hbm4b:s2+s3], $0x80, v4, vm0, $0xb8;
	[tilespmem:$0x6280] =	vst v63  }
0x2f: {  	_ = 	snop  }
0x30: {  	[tilespmem:s13], [sflag:$0x1] =	stream.indirect_vreg.gather [hbm4b:s2+s3], $0x80, v3, vm0, $0xb8;
	[tilespmem:$0x6280] =	vst v63  }
0x31: {  	v3 =	vld [tilespmem:s22+$0x0];
	_ =	sdelay $0x4  }
0x32: {  	v61 =	vshll.u32 v3, $0x1  }
0x33: {  	v3 =	vand.u32 $0x7, v3;
	v4 =	vand.u32 $0xFFFFFFF0, v61  }
0x34: {  	v3 =	vor.u32 v3, v4  }
0x35: {  	v4 =	vperm.xlane v3, v0;
	_ =	sdelay $0x1  }
0x36: {  	v3 =	vperm.xlane v3, v2;
	v4 =	vadd.s32 v1, v4;
	_ =	sdelay $0x1  }
0x37: {  	v3 =	vadd.s32 v1, v3;
	_ =	sdelay $0x2  }
0x38: {  	[tilespmem:s14], [sflag:$0x1] =	stream.indirect_vreg.gather [hbm4b:s2+s3], $0x80, v4, vm0, $0xb8;
	[tilespmem:$0x6280] =	vst v63  }
0x39: {  	_ = 	snop  }
0x3a: {  	[tilespmem:s15], [sflag:$0x1] =	stream.indirect_vreg.gather [hbm4b:s2+s3], $0x80, v3, vm0, $0xb8;
	[tilespmem:$0x6280] =	vst v63  }
0x3b: {  	v3 =	vld [tilespmem:s22+$0x10];
	_ =	sdelay $0x4  }
0x3c: {  	v62 =	vshll.u32 v3, $0x1  }
0x3d: {  	v3 =	vand.u32 $0x7, v3;
	v4 =	vand.u32 $0xFFFFFFF0, v62  }
0x3e: {  	v3 =	vor.u32 v3, v4  }
0x3f: {  	v4 =	vperm.xlane v3, v0;
	_ =	sdelay $0x1  }
0x40: {  	v3 =	vperm.xlane v3, v2;
	v4 =	vadd.s32 v1, v4;
	_ =	sdelay $0x1  }
0x41: {  	v3 =	vadd.s32 v1, v3;
	_ =	sdelay $0x2  }
0x42: {  	[tilespmem:s16], [sflag:$0x1] =	stream.indirect_vreg.gather [hbm4b:s2+s3], $0x80, v4, vm0, $0xb8;
	[tilespmem:$0x6280] =	vst v63  }
0x43: {  	_ = 	snop  }
0x44: {  	[tilespmem:s17], [sflag:$0x1] =	stream.indirect_vreg.gather [hbm4b:s2+s3], $0x80, v3, vm0, $0xb8;
	[tilespmem:$0x6280] =	vst v63  }
0x45: {  	v3 =	vld [tilespmem:s22+$0x20];
	_ =	sdelay $0x4  }
0x46: {  	v63 =	vshll.u32 v3, $0x1  }
0x47: {  	v3 =	vand.u32 $0x7, v3;
	v4 =	vand.u32 $0xFFFFFFF0, v63  }
0x48: {  	v3 =	vor.u32 v3, v4  }
0x49: {  	v4 =	vperm.xlane v3, v0;
	_ =	sdelay $0x1  }
0x4a: {  	v3 =	vperm.xlane v3, v2;
	v4 =	vadd.s32 v1, v4;
	_ =	sdelay $0x1  }
0x4b: {  	v3 =	vadd.s32 v1, v3;
	_ =	sdelay $0x2  }
0x4c: {  	[tilespmem:s18], [sflag:$0x1] =	stream.indirect_vreg.gather [hbm4b:s2+s3], $0x80, v4, vm0, $0xb8;
	[tilespmem:$0x6280] =	vst v63  }
0x4d: {  	_ = 	snop  }
0x4e: {  	[tilespmem:s19], [sflag:$0x1] =	stream.indirect_vreg.gather [hbm4b:s2+s3], $0x80, v3, vm0, $0xb8;
	[tilespmem:$0x6280] =	vst v63  }
0x4f: {  	_ =	swait.ge [sflag:s20], $0x6000  }
0x50: {  	p0 =	sne.s32 s23, $0x3C00;
	[sflag:s20] =	ssyncset.done $0x0  }
.Ltmp0:
0x51: {  	s24 =	sadd.s32 s23, s6;
	[sflag:s20] =	ssyncadd.s32 $0xFFFFA000;
	(pc) =	sbr.rel @p0 .LBB2_2-.Ltmp0, $4  }
0x52: {  	[hbm4b:s24+s3] =	stream.linear.scatter [tilespmem:s8], [sflag:$0x2], $0x6000, $0x38;
	[tilespmem:$0x6280] =	vst v63  }
0x53: {  	_ =	swait.ge [sflag:s7], $0x6000  }
0x54: {  	[sflag:s7] =	ssyncset.done $0x0  }
0x55: {  	s23 =	sadd.s32 $0xC00, s23;
	s22 =	sadd.s32 $0x60, s22;
	[sflag:s7] =	ssyncadd.s32 $0xFFFFA000  }
0x56: {  	s21 =	sadd.s32 $0x1, s21  }
0x57: {  	p0 =	sne.s32 s21, s5  }
.Ltmp1:
0x58: {  	_ = 	snop;
	(pc) =	sbr.rel @p0 .LBB2_1-.Ltmp1, $1  }
0x59: {  	_ =	sdelay $0x3  }
0x5a: {  	_ =	sfence.sel $0x180000  }
0x5b: {  	[bflag:$0x0] =	sbarrier.arrive $0xFFFF  }
0x5c: {  	p0 =	sne.s32 s0, $0x0;
	_ =	strace $0x90000047  }
0x5d: {  	s0 =	sadd.s32 @!p0 $0x100000, s1;
	[bflag:$0x2] =	sbarrier.arrive $0xFFFF  }
0x5e: {  	[sflag:s0] =	ssyncadd.tile.s32 @!p0 $0x1;
	_ =	shalt  }
.Lfunc_end2:
_tile_overlayer_lowered:
.L_overlay_start_2:
0x5f: {  	(tag) =	ssettag $0x2  }
0x60: {  	s0 =	rddreg [dreg:$0x0];
	s2 =	stileid.u32  }
0x61: {  	s1 =	rddreg [dreg:$0x1];
	p0 =	sne.s32 s2, $0x0  }
0x62: {  	s3 =	rddreg [dreg:$0x2];
	[bflag:$0x3] =	sbarrier.arrive $0xFFFF;
	s2 =	simm.s32 @!p0 $0x1C02  }
0x63: {  	[timem:s3], [sflag:s2] =	dma.local @!p0 [hbm:s0], s1  }
0x64: {  	s0 =	simm.s32 @!p0 $0x2  }
0x65: {  	_ =	swait.ge @!p0 [sflag:s0], s1  }
0x66: {  	s1 =	ssub.s32 @!p0 $0x0, s1;
	[sflag:s0] =	ssyncset.done @!p0 $0x0  }
0x67: {  	[sflag:s0] =	ssyncadd.s32 @!p0 s1  }
0x68: {  	[bflag:$0x3] =	sbarrier.arrive $0xFFFF  }
0x69: {  	_ =	shalt  }

</sc_bundles>
